<compile_context>
chip_gen: v7x
topology: tpu7x:2x2x1
jax: 0.10.2.dev20260603
libtpu: 0.0.44.dev20260713+nightly
codegen_flags: <defaults>
</compile_context>

<pallas_src>
import functools

import jax
import jax.numpy as jnp
from jax import lax
from jax.experimental import pallas as pl
from jax.experimental.pallas import tpu as pltpu
from jax.experimental.pallas import tpu_sc as plsc

S = 64.0
M = 0.4

_NC = 2
_NS = 16
_NW = _NC * _NS
_L = 16


def _sc_margin_body(n_rows, n_cols, cos_flat_hbm, label_hbm, adj_hbm,
                    lbl_v, idx_v, vals_v, sem):
    rows_per_w = n_rows // _NW
    wid = lax.axis_index("s") * _NC + lax.axis_index("c")
    base = wid * rows_per_w
    pltpu.sync_copy(label_hbm.at[pl.ds(base, rows_per_w)], lbl_v)
    for k in range(rows_per_w // _L):
        lbl = lbl_v[pl.ds(k * _L, _L)]
        safe = jnp.where(lbl >= 0, lbl, 0)
        rows = lax.iota(jnp.int32, _L) + (base + k * _L)
        idx_v[pl.ds(k * _L, _L)] = rows * n_cols + safe
    pltpu.async_copy(cos_flat_hbm.at[idx_v], vals_v, sem).wait()
    for k in range(rows_per_w // _L):
        v = vals_v[pl.ds(k * _L, _L)]
        lbl = lbl_v[pl.ds(k * _L, _L)]
        margin = jnp.where(lbl >= 0, jnp.float32(M), jnp.float32(0.0))
        vals_v[pl.ds(k * _L, _L)] = (v - margin) * jnp.float32(S)
    pltpu.sync_copy(vals_v, adj_hbm.at[pl.ds(base, rows_per_w)])


def _tc_inject_body(n_cols_blk, cos_ref, lbl_ref, adj_ref, out_ref):
    col0 = pl.program_id(1) * n_cols_blk
    shape = cos_ref.shape
    cols = lax.broadcasted_iota(jnp.int32, shape, 1) + col0
    out_ref[...] = jnp.where(cols == lbl_ref[...], adj_ref[...],
                             cos_ref[...] * jnp.float32(S))


def kernel(cosine, label):
    n_rows, n_cols = cosine.shape
    rows_per_w = n_rows // _NW

    mesh = plsc.VectorSubcoreMesh(core_axis_name="c", subcore_axis_name="s",
                                  num_cores=_NC, num_subcores=_NS)
    sc_fn = pl.kernel(
        functools.partial(_sc_margin_body, n_rows, n_cols),
        out_type=jax.ShapeDtypeStruct((n_rows,), jnp.float32),
        mesh=mesh,
        scratch_types=[
            pltpu.VMEM((rows_per_w,), jnp.int32),
            pltpu.VMEM((rows_per_w,), jnp.int32),
            pltpu.VMEM((rows_per_w,), jnp.float32),
            pltpu.SemaphoreType.DMA,
        ],
    )
    adj = sc_fn(cosine.reshape(-1), label)

    blk_r, blk_c = 8, n_cols
    grid = (n_rows // blk_r, pl.cdiv(n_cols, blk_c))
    out = pl.pallas_call(
        functools.partial(_tc_inject_body, blk_c),
        grid=grid,
        in_specs=[
            pl.BlockSpec((blk_r, blk_c), lambda i, j: (i, j)),
            pl.BlockSpec((blk_r, 1), lambda i, j: (i, 0)),
            pl.BlockSpec((blk_r, 1), lambda i, j: (i, 0)),
        ],
        out_specs=pl.BlockSpec((blk_r, blk_c), lambda i, j: (i, j)),
        out_shape=jax.ShapeDtypeStruct((n_rows, n_cols), jnp.float32),
        compiler_params=pltpu.CompilerParams(
            dimension_semantics=("parallel", "parallel"),
        ),
    )(cosine, label.reshape(n_rows, 1), adj.reshape(n_rows, 1))
    return out

# --- scband reference (transcript-rebuilt; emitter-appended) ---
"""Pipeline reference for scband-cos-face-12326556139625 (READ-ONLY COPY).

The authoritative reference and input builder live on the scoring server;
editing this copy changes nothing except your own understanding.
"""

import jax, jax.numpy as jnp
import numpy as np

S = 64.0
M = 0.4


def setup_inputs(seed: int = 0) -> dict:
    key = jax.random.key(seed)
    k1, k2 = jax.random.split(key)
    cosine = jax.random.normal(k1, (1024, 100000), dtype=jnp.float32)
    label = jax.random.randint(k2, (1024,), 0, 100000, dtype=jnp.int32)
    return {"cosine": cosine, "label": label}


def reference(cosine, label):
    # Faithful CosFace: for rows where label != -1, subtract margin m at the
    # label column (torch: m_hot.scatter_(1, label, m); cosine[index] -= m_hot),
    # then scale everything by s.
    rows = jnp.arange(cosine.shape[0])
    valid = (label != -1)
    safe_label = jnp.where(valid, label, 0)
    margin = (-M) * valid.astype(cosine.dtype)
    adjusted = cosine.at[rows, safe_label].add(margin)
    return adjusted * S

if __name__ == "__main__":
    import jax
    _d = setup_inputs()
    print(jax.jit(kernel)(*tuple(_d.values())))

</pallas_src>

<mosaic_0001>
#map = affine_map<(d0, d1) -> (0)>
module attributes {stable_mosaic.version = 14 : i64} {
  func.func @_sc_margin_body(%arg0: i32, %arg1: i32, %arg2: memref<102400000xf32, #tpu.memory_space<hbm>>, %arg3: memref<1024xi32, #tpu.memory_space<hbm>>, %arg4: memref<1024xf32, #tpu.memory_space<hbm>>, %arg5: memref<32xi32, #tpu.memory_space<vmem>>, %arg6: memref<32xi32, #tpu.memory_space<vmem>>, %arg7: memref<32xf32, #tpu.memory_space<vmem>>, %arg8: memref<!tpu.dma_semaphore, #tpu.memory_space<semaphore_mem>>) attributes {dimension_semantics = [#tpu.dimension_semantics<core_parallel>, #tpu.dimension_semantics<subcore_parallel>], iteration_bounds = array<i64: 2, 16>, scalar_prefetch = 0 : i64, scratch_operands = 4 : i64, tpu.core_type = #tpu.core_type<sc_vector_subcore>, window_params = [{transform_indices = #map}, {transform_indices = #map}, {transform_indices = #map}]} {
    %mul3A = arith.constant 2 : i32
    %mul3A_0 = arith.muli %arg1, %mul3A : i32
    %add3A = arith.addi %mul3A_0, %arg0 : i32
    %mul3A_1 = arith.constant 32 : i32
    %mul3A_2 = arith.muli %add3A, %mul3A_1 : i32
    "tpu.region"() ({
      %run_scoped3A = tpu.sem_alloc : memref<!tpu.dma_semaphore, #tpu.memory_space<semaphore_mem>>
      %dma_start3A_85 = tpu.memref_slice %arg3[%mul3A_2] : memref<1024xi32, #tpu.memory_space<hbm>> -> memref<32xi32, #tpu.memory_space<hbm>>
      %dma_start3A_86 = tpu.memref_slice %arg3[%mul3A_2] : memref<1024xi32, #tpu.memory_space<hbm>> -> memref<32xi32, #tpu.memory_space<hbm>>
      tpu.enqueue_dma source(%dma_start3A_86 : memref<32xi32, #tpu.memory_space<hbm>>) target(%arg5 : memref<32xi32, #tpu.memory_space<vmem>>) target_semaphore(%run_scoped3A : memref<!tpu.dma_semaphore, #tpu.memory_space<semaphore_mem>>)
      %dma_wait3A_87 = tpu.memref_slice %arg3[%mul3A_2] : memref<1024xi32, #tpu.memory_space<hbm>> -> memref<32xi32, #tpu.memory_space<hbm>>
      %dma_wait3A_88 = tpu.memref_slice %arg3[%mul3A_2] : memref<1024xi32, #tpu.memory_space<hbm>> -> memref<32xi32, #tpu.memory_space<hbm>>
      tpu.wait_dma2 semaphore(%run_scoped3A : memref<!tpu.dma_semaphore, #tpu.memory_space<semaphore_mem>>) src(%dma_wait3A_88 : memref<32xi32, #tpu.memory_space<hbm>>) dst(%arg5 : memref<32xi32, #tpu.memory_space<vmem>>)
      tpu.yield
    }) : () -> ()
    %get3A = arith.constant 0 : index
    %get3A_3 = tpu.vector_load %arg5[%get3A] {strides = array<i32>} : memref<32xi32, #tpu.memory_space<vmem>>, vector<16xi32>,
    %get3A_4 = vector.shape_cast %get3A_3 : vector<16xi32> to vector<16xi32>
    %ge3A = arith.constant 0 : i32
    %ge3A_5 = vector.broadcast %ge3A : i32 to vector<16xi32>
    %ge3A_6 = arith.cmpi sge, %get3A_4, %ge3A_5 : vector<16xi32>
    %jit3A = arith.constant 0 : i32
    %broadcast_in_dim3A = vector.broadcast %jit3A : i32 to vector<16xi32>
    %select_n3A = arith.select %ge3A_6, %get3A_4, %broadcast_in_dim3A : vector<16xi1>, vector<16xi32>
    %iota3A = tpu.iota {dimensions = array<i32: 0>} : vector<16xi32>
    %add3A_7 = arith.constant 0 : i32
    %add3A_8 = arith.addi %mul3A_2, %add3A_7 : i32
    %add3A_9 = vector.broadcast %add3A_8 : i32 to vector<16xi32>
    %add3A_10 = arith.addi %iota3A, %add3A_9 : vector<16xi32>
    %mul3A_11 = arith.constant 100000 : i32
    %mul3A_12 = vector.broadcast %mul3A_11 : i32 to vector<16xi32>
    %mul3A_13 = arith.muli %add3A_10, %mul3A_12 : vector<16xi32>
    %add3A_14 = arith.addi %mul3A_13, %select_n3A : vector<16xi32>
    %swap3A = arith.constant 0 : index
    %swap3A_15 = tpu.vector_load %arg6[%swap3A] {strides = array<i32>} : memref<32xi32, #tpu.memory_space<vmem>>, vector<16xi32>,
    %swap3A_16 = vector.shape_cast %swap3A_15 : vector<16xi32> to vector<16xi32>
    %swap3A_17 = vector.shape_cast %add3A_14 : vector<16xi32> to vector<16xi32>
    tpu.vector_store %arg6[%swap3A], %swap3A_17 {strides = array<i32>} : memref<32xi32, #tpu.memory_space<vmem>>, vector<16xi32>,
    %get3A_18 = arith.constant 16 : index
    %get3A_19 = tpu.vector_load %arg5[%get3A_18] {strides = array<i32>} : memref<32xi32, #tpu.memory_space<vmem>>, vector<16xi32>,
    %get3A_20 = vector.shape_cast %get3A_19 : vector<16xi32> to vector<16xi32>
    %ge3A_21 = arith.constant 0 : i32
    %ge3A_22 = vector.broadcast %ge3A_21 : i32 to vector<16xi32>
    %ge3A_23 = arith.cmpi sge, %get3A_20, %ge3A_22 : vector<16xi32>
    %jit3A_24 = arith.constant 0 : i32
    %broadcast_in_dim3A_25 = vector.broadcast %jit3A_24 : i32 to vector<16xi32>
    %select_n3A_26 = arith.select %ge3A_23, %get3A_20, %broadcast_in_dim3A_25 : vector<16xi1>, vector<16xi32>
    %iota3A_27 = tpu.iota {dimensions = array<i32: 0>} : vector<16xi32>
    %add3A_28 = arith.constant 16 : i32
    %add3A_29 = arith.addi %mul3A_2, %add3A_28 : i32
    %add3A_30 = vector.broadcast %add3A_29 : i32 to vector<16xi32>
    %add3A_31 = arith.addi %iota3A_27, %add3A_30 : vector<16xi32>
    %mul3A_32 = arith.constant 100000 : i32
    %mul3A_33 = vector.broadcast %mul3A_32 : i32 to vector<16xi32>
    %mul3A_34 = arith.muli %add3A_31, %mul3A_33 : vector<16xi32>
    %add3A_35 = arith.addi %mul3A_34, %select_n3A_26 : vector<16xi32>
    %swap3A_36 = arith.constant 16 : index
    %swap3A_37 = tpu.vector_load %arg6[%swap3A_36] {strides = array<i32>} : memref<32xi32, #tpu.memory_space<vmem>>, vector<16xi32>,
    %swap3A_38 = vector.shape_cast %swap3A_37 : vector<16xi32> to vector<16xi32>
    %swap3A_39 = vector.shape_cast %add3A_35 : vector<16xi32> to vector<16xi32>
    tpu.vector_store %arg6[%swap3A_36], %swap3A_39 {strides = array<i32>} : memref<32xi32, #tpu.memory_space<vmem>>, vector<16xi32>,
    %dma_start3A = arith.constant 0 : i32
    %dma_start3A_40 = tpu.memref_slice %arg2[%dma_start3A] : memref<102400000xf32, #tpu.memory_space<hbm>> -> memref<102400000xf32, #tpu.memory_space<hbm>>
    tpu.enqueue_indirect_dma source(%dma_start3A_40 : memref<102400000xf32, #tpu.memory_space<hbm>>) target(%arg7 : memref<32xf32, #tpu.memory_space<vmem>>) offsets(%arg6 : memref<32xi32, #tpu.memory_space<vmem>>) semaphore(%arg8 : memref<!tpu.dma_semaphore, #tpu.memory_space<semaphore_mem>>)
    %dma_wait3A = arith.constant 0 : i32
    %dma_wait3A_41 = tpu.memref_slice %arg2[%dma_wait3A] : memref<102400000xf32, #tpu.memory_space<hbm>> -> memref<102400000xf32, #tpu.memory_space<hbm>>
    tpu.wait_indirect_dma semaphore(%arg8 : memref<!tpu.dma_semaphore, #tpu.memory_space<semaphore_mem>>) src(%dma_wait3A_41 : memref<102400000xf32, #tpu.memory_space<hbm>>) dst(%arg7 : memref<32xf32, #tpu.memory_space<vmem>>)
    %get3A_42 = arith.constant 0 : index
    %get3A_43 = tpu.vector_load %arg7[%get3A_42] {strides = array<i32>} : memref<32xf32, #tpu.memory_space<vmem>>, vector<16xf32>,
    %get3A_44 = vector.shape_cast %get3A_43 : vector<16xf32> to vector<16xf32>
    %get3A_45 = arith.constant 0 : index
    %get3A_46 = tpu.vector_load %arg5[%get3A_45] {strides = array<i32>} : memref<32xi32, #tpu.memory_space<vmem>>, vector<16xi32>,
    %get3A_47 = vector.shape_cast %get3A_46 : vector<16xi32> to vector<16xi32>
    %ge3A_48 = arith.constant 0 : i32
    %ge3A_49 = vector.broadcast %ge3A_48 : i32 to vector<16xi32>
    %ge3A_50 = arith.cmpi sge, %get3A_47, %ge3A_49 : vector<16xi32>
    %jit3A_51 = arith.constant 4.000000e-01 : f32
    %jit3A_52 = arith.constant 0.000000e+00 : f32
    %broadcast_in_dim3A_53 = vector.broadcast %jit3A_51 : f32 to vector<16xf32>
    %broadcast_in_dim3A_54 = vector.broadcast %jit3A_52 : f32 to vector<16xf32>
    %select_n3A_55 = arith.select %ge3A_50, %broadcast_in_dim3A_53, %broadcast_in_dim3A_54 : vector<16xi1>, vector<16xf32>
    %sub3A = arith.subf %get3A_44, %select_n3A_55 : vector<16xf32>
    %mul3A_56 = arith.constant 6.400000e+01 : f32
    %mul3A_57 = vector.broadcast %mul3A_56 : f32 to vector<16xf32>
    %mul3A_58 = arith.mulf %sub3A, %mul3A_57 : vector<16xf32>
    %swap3A_59 = arith.constant 0 : index
    %swap3A_60 = tpu.vector_load %arg7[%swap3A_59] {strides = array<i32>} : memref<32xf32, #tpu.memory_space<vmem>>, vector<16xf32>,
    %swap3A_61 = vector.shape_cast %swap3A_60 : vector<16xf32> to vector<16xf32>
    %swap3A_62 = vector.shape_cast %mul3A_58 : vector<16xf32> to vector<16xf32>
    tpu.vector_store %arg7[%swap3A_59], %swap3A_62 {strides = array<i32>} : memref<32xf32, #tpu.memory_space<vmem>>, vector<16xf32>,
    %get3A_63 = arith.constant 16 : index
    %get3A_64 = tpu.vector_load %arg7[%get3A_63] {strides = array<i32>} : memref<32xf32, #tpu.memory_space<vmem>>, vector<16xf32>,
    %get3A_65 = vector.shape_cast %get3A_64 : vector<16xf32> to vector<16xf32>
    %get3A_66 = arith.constant 16 : index
    %get3A_67 = tpu.vector_load %arg5[%get3A_66] {strides = array<i32>} : memref<32xi32, #tpu.memory_space<vmem>>, vector<16xi32>,
    %get3A_68 = vector.shape_cast %get3A_67 : vector<16xi32> to vector<16xi32>
    %ge3A_69 = arith.constant 0 : i32
    %ge3A_70 = vector.broadcast %ge3A_69 : i32 to vector<16xi32>
    %ge3A_71 = arith.cmpi sge, %get3A_68, %ge3A_70 : vector<16xi32>
    %jit3A_72 = arith.constant 4.000000e-01 : f32
    %jit3A_73 = arith.constant 0.000000e+00 : f32
    %broadcast_in_dim3A_74 = vector.broadcast %jit3A_72 : f32 to vector<16xf32>
    %broadcast_in_dim3A_75 = vector.broadcast %jit3A_73 : f32 to vector<16xf32>
    %select_n3A_76 = arith.select %ge3A_71, %broadcast_in_dim3A_74, %broadcast_in_dim3A_75 : vector<16xi1>, vector<16xf32>
    %sub3A_77 = arith.subf %get3A_65, %select_n3A_76 : vector<16xf32>
    %mul3A_78 = arith.constant 6.400000e+01 : f32
    %mul3A_79 = vector.broadcast %mul3A_78 : f32 to vector<16xf32>
    %mul3A_80 = arith.mulf %sub3A_77, %mul3A_79 : vector<16xf32>
    %swap3A_81 = arith.constant 16 : index
    %swap3A_82 = tpu.vector_load %arg7[%swap3A_81] {strides = array<i32>} : memref<32xf32, #tpu.memory_space<vmem>>, vector<16xf32>,
    %swap3A_83 = vector.shape_cast %swap3A_82 : vector<16xf32> to vector<16xf32>
    %swap3A_84 = vector.shape_cast %mul3A_80 : vector<16xf32> to vector<16xf32>
    tpu.vector_store %arg7[%swap3A_81], %swap3A_84 {strides = array<i32>} : memref<32xf32, #tpu.memory_space<vmem>>, vector<16xf32>,
    "tpu.region"() ({
      %run_scoped3A = tpu.sem_alloc : memref<!tpu.dma_semaphore, #tpu.memory_space<semaphore_mem>>
      %dma_start3A_85 = tpu.memref_slice %arg4[%mul3A_2] : memref<1024xf32, #tpu.memory_space<hbm>> -> memref<32xf32, #tpu.memory_space<hbm>>
      %dma_start3A_86 = tpu.memref_slice %arg4[%mul3A_2] : memref<1024xf32, #tpu.memory_space<hbm>> -> memref<32xf32, #tpu.memory_space<hbm>>
      tpu.enqueue_dma source(%arg7 : memref<32xf32, #tpu.memory_space<vmem>>) target(%dma_start3A_86 : memref<32xf32, #tpu.memory_space<hbm>>) target_semaphore(%run_scoped3A : memref<!tpu.dma_semaphore, #tpu.memory_space<semaphore_mem>>)
      %dma_wait3A_87 = tpu.memref_slice %arg4[%mul3A_2] : memref<1024xf32, #tpu.memory_space<hbm>> -> memref<32xf32, #tpu.memory_space<hbm>>
      %dma_wait3A_88 = tpu.memref_slice %arg4[%mul3A_2] : memref<1024xf32, #tpu.memory_space<hbm>> -> memref<32xf32, #tpu.memory_space<hbm>>
      tpu.wait_dma2 semaphore(%run_scoped3A : memref<!tpu.dma_semaphore, #tpu.memory_space<semaphore_mem>>) src(%arg7 : memref<32xf32, #tpu.memory_space<vmem>>) dst(%dma_wait3A_88 : memref<32xf32, #tpu.memory_space<hbm>>)
      tpu.yield
    }) : () -> ()
    return
  }
}

module attributes {stable_mosaic.version = 14 : i64} {
  func.func @_tc_inject_body(%arg0: i32, %arg1: i32, %arg2: memref<8x100000xf32, #tpu.memory_space<vmem>>, %arg3: memref<8x1xi32, #tpu.memory_space<vmem>>, %arg4: memref<8x1xf32, #tpu.memory_space<vmem>>, %arg5: memref<8x100000xf32, #tpu.memory_space<vmem>>) attributes {dimension_semantics = [#tpu.dimension_semantics<parallel>, #tpu.dimension_semantics<parallel>], iteration_bounds = array<i64: 128, 1>, scalar_prefetch = 0 : i64, scratch_operands = 0 : i64, tpu.core_type = #tpu.core_type<tc>, window_params = [{transform_indices = @transform_0, window_bounds = array<i64: 8, 100000>}, {transform_indices = @transform_1, window_bounds = array<i64: 8, 1>}, {transform_indices = @transform_2, window_bounds = array<i64: 8, 1>}, {transform_indices = @transform_3, window_bounds = array<i64: 8, 100000>}]} {
    %mul3A = arith.constant 100000 : i32
    %mul3A_0 = arith.muli %arg1, %mul3A : i32
    %iota3A = tpu.iota {dimensions = array<i32: 1>} : vector<8x100000xi32>
    %add3A = vector.broadcast %mul3A_0 : i32 to vector<8x100000xi32>
    %add3A_1 = arith.addi %iota3A, %add3A : vector<8x100000xi32>
    %get3A = arith.constant 0 : index
    %get3A_2 = arith.constant 0 : index
    %get3A_3 = vector.load %arg3[%get3A, %get3A_2] : memref<8x1xi32, #tpu.memory_space<vmem>>, vector<8x1xi32>
    %eq3A = vector.broadcast %get3A_3 : vector<8x1xi32> to vector<8x100000xi32>
    %eq3A_4 = arith.cmpi eq, %add3A_1, %eq3A : vector<8x100000xi32>
    %get3A_5 = arith.constant 0 : index
    %get3A_6 = arith.constant 0 : index
    %get3A_7 = vector.load %arg4[%get3A_5, %get3A_6] : memref<8x1xf32, #tpu.memory_space<vmem>>, vector<8x1xf32>
    %get3A_8 = arith.constant 0 : index
    %get3A_9 = arith.constant 0 : index
    %get3A_10 = vector.load %arg2[%get3A_8, %get3A_9] : memref<8x100000xf32, #tpu.memory_space<vmem>>, vector<8x100000xf32>
    %mul3A_11 = arith.constant 6.400000e+01 : f32
    %mul3A_12 = vector.broadcast %mul3A_11 : f32 to vector<8x100000xf32>
    %mul3A_13 = arith.mulf %get3A_10, %mul3A_12 : vector<8x100000xf32>
    %broadcast_in_dim3A = vector.shape_cast %get3A_7 : vector<8x1xf32> to vector<8x1xf32>
    %broadcast_in_dim3A_14 = vector.broadcast %broadcast_in_dim3A : vector<8x1xf32> to vector<8x100000xf32>
    %select_n3A = arith.select %eq3A_4, %broadcast_in_dim3A_14, %mul3A_13 : vector<8x100000xi1>, vector<8x100000xf32>
    %swap3A = arith.constant 0 : index
    %swap3A_15 = arith.constant 0 : index
    %swap3A_16 = vector.load %arg5[%swap3A, %swap3A_15] : memref<8x100000xf32, #tpu.memory_space<vmem>>, vector<8x100000xf32>
    tpu.vector_store %arg5[%swap3A, %swap3A_15], %select_n3A {strides = array<i32>} : memref<8x100000xf32, #tpu.memory_space<vmem>>, vector<8x100000xf32>,
    return
  }
  func.func @transform_0(%arg0: i32, %arg1: i32) -> (i32, i32) {
    %c0_i32 = arith.constant 0 : i32
    return %arg0, %arg1 : i32, i32
  }
  func.func @transform_1(%arg0: i32, %arg1: i32) -> (i32, i32) {
    %c0_i32 = arith.constant 0 : i32
    %c0_i32_0 = arith.constant 0 : i32
    return %arg0, %c0_i32 : i32, i32
  }
  func.func @transform_2(%arg0: i32, %arg1: i32) -> (i32, i32) {
    %c0_i32 = arith.constant 0 : i32
    %c0_i32_0 = arith.constant 0 : i32
    return %arg0, %c0_i32 : i32, i32
  }
  func.func @transform_3(%arg0: i32, %arg1: i32) -> (i32, i32) {
    %c0_i32 = arith.constant 0 : i32
    return %arg0, %arg1 : i32, i32
  }
}

</mosaic_0001>

<sc_bundles>
// kernel: kernel.4.cloned.1.call-start
scs
__scs_entry_jumppad:
0x0: {  	(pc) =	sbr.rel $0x88, $3  }
0x1: {  	(tag) =	ssettag $0x0;
	lr =	simm.s32 $0x1  }
0x2: {  	[smem:$0x3F9F] =	sst lr;
	_ =	strace $0xD0000000  }
0x3: {  	_ = 	snop  }
0x4: {  	_ = 	snop  }
0x5: {  	_ = 	snop  }
0x6: {  	_ = 	snop  }
0x7: {  	_ = 	snop  }
__scs_overlays_trampoline_lowered:
0x8: {  	[smem:$0x3FAE] =	sst s0  }
0x9: {  	[smem:$0x3FAF] =	sst s1  }
0xa: {  	[smem:$0x3FB0] =	sst s2  }
0xb: {  	[smem:$0x3FB1] =	sst s3  }
0xc: {  	[smem:$0x3FB2] =	sst s4  }
0xd: {  	[smem:$0x3FB3] =	sst s5  }
0xe: {  	[smem:$0x3FB4] =	sst s6  }
0xf: {  	[smem:$0x3FB5] =	sst s7  }
0x10: {  	[smem:$0x3FB6] =	sst s8  }
0x11: {  	[smem:$0x3FB7] =	sst s9;
	s0 =	simm.s32 @!p0 $0x0  }
0x12: {  	s1 =	sld [smem:$0x3F9D];
	s0 =	simm.s32 @p0 $0x1  }
0x13: {  	[smem:$0x3FB8] =	sst s0;
	s0 =	simm.s32 @!p1 $0x0  }
0x14: {  	s2 =	sld [smem:$0x3F9C];
	s0 =	simm.s32 @p1 $0x1  }
0x15: {  	[smem:$0x3FB9] =	sst s0;
	s0 =	simm.s32 @!p2 $0x0  }
0x16: {  	s3 =	sld [smem:$0x3FDB];
	s0 =	simm.s32 @p2 $0x1  }
0x17: {  	s4 =	simm.s32 $0x1BF5;
	[smem:$0x3FBB] =	sst s0  }
0x18: {  	s0 =	sld [smem:$0x3F9E];
	_ =	swait.ge [sflag:s4], $0x0  }
0x19: {  	s7 =	sld [smem:$0x3F9F]  }
0x1a: {  	s8 =	sadd.s32 $0xFFFFE003, lr  }
0x1b: {  	s9 =	sadd.s32 $0xFFFFFEF7, lr;
	s5 =	simm.s32 $0xFFFFFFFF;
	p2 =	slt.u32 s8, $0xFFFFF086  }
0x1c: {  	p1 =	slt.u32 s9, $0xF7A;
	s5 =	simm.s32 @!p2 $0x0  }
0x1d: {  	s5 =	simm.s32 @p1 $0x1;
	p0 =	seq.s32 s7, s2  }
0x1e: {  	s7 =	smul.u32 @!p0 $0xF7A, s2;
	p2 =	seq.s32 @!p0 s5, $0x0  }
0x1f: {  	s9 =	smul.u32 $0xF7A, s1;
	s8 =	simm.s32 @!p0 $0x1BF5;
	p2 =	por !p2, p0  }
0x20: {  	[sflag:s8] =	ssyncset.s32 @!p0 $0xFFFFF086;
	s6 =	sadd.s32 @!p0 s3, s7;
	s7 =	simm.s32 @!p0 $0x108  }
0x21: {  	s3 =	sadd.s32 s3, s9;
	s6 =	sadd.s32 @!p0 $0x88, s6;
	s7 =	simm.s32 @p2 $0x1082  }
0x22: {  	[simem:s7], [sflag:s8] =	dma.local @!p0 [hbm:s6], $0xF7A  }
0x23: {  	s9 =	sor.u32 $0xD0000000, s2;
	s6 =	simm.s32 $0x108;
	_ =	swait.ge @!p0 [sflag:s8], $0x0  }
0x24: {  	s3 =	sadd.s32 $0x88, s3;
	s6 =	simm.s32 @!p1 $0x1082;
	[sflag:s4] =	ssyncset.s32 $0xFFFFF086  }
0x25: {  	[simem:s6], [sflag:s4] =	dma.local [hbm:s3], $0xF7A  }
0x26: {  	[smem:$0x3F9F] =	sst s1;
	(tag) =	ssettag s2;
	_ =	strace s9  }
0x27: {  	s1 =	sld [smem:$0x3FAF]  }
0x28: {  	s2 =	sld [smem:$0x3FB0]  }
0x29: {  	s4 =	sld [smem:$0x3FB2]  }
0x2a: {  	p0 =	seq.s32 s5, $0x0;
	s5 =	sld [smem:$0x3FB3]  }
0x2b: {  	s6 =	sld [smem:$0x3FB4]  }
0x2c: {  	s7 =	sld [smem:$0x3FB5]  }
0x2d: {  	s3 =	simm.s32 $0x108;
	s8 =	sld [smem:$0x3FB6]  }
0x2e: {  	s3 =	simm.s32 @!p0 $0x1082;
	s9 =	sld [smem:$0x3FB7]  }
0x2f: {  	lr =	sadd.s32 s0, s3;
	s0 =	sld [smem:$0x3FAE]  }
0x30: {  	s3 =	sld [smem:$0x3FB1]  }
0x31: {  	[smem:$0x3FBA] =	sst s10  }
0x32: {  	s10 =	sld [smem:$0x3FB8];
	_ =	sdelay $0x3  }
0x33: {  	p0 =	seq.s32 s10, $0x1;
	s10 =	sld [smem:$0x3FBA];
	_ =	sdelay $0x3  }
0x34: {  	[smem:$0x3FBA] =	sst s10  }
0x35: {  	s10 =	sld [smem:$0x3FB9];
	_ =	sdelay $0x3  }
0x36: {  	p1 =	seq.s32 s10, $0x1;
	s10 =	sld [smem:$0x3FBA];
	_ =	sdelay $0x3  }
0x37: {  	[smem:$0x3FBA] =	sst s10  }
0x38: {  	s10 =	sld [smem:$0x3FBB]  }
0x39: {  	_ = 	snop;
	(pc) =	sbr.ind lr, $3  }
0x3a: {  	_ = 	snop  }
0x3b: {  	_ = 	snop  }
0x3c: {  	p2 =	seq.s32 s10, $0x1;
	s10 =	sld [smem:$0x3FBA]  }
0x3d: {  	_ =	shalt  }
0x3e: {  	_ =	shalt  }
0x3f: {  	_ =	shalt  }
0x40: {  	_ =	shalt  }
0x41: {  	_ =	shalt  }
0x42: {  	_ =	shalt  }
0x43: {  	_ =	shalt  }
0x44: {  	_ =	shalt  }
0x45: {  	_ =	shalt  }
0x46: {  	_ =	shalt  }
0x47: {  	_ =	shalt  }
0x48: {  	_ =	shalt  }
0x49: {  	_ =	shalt  }
0x4a: {  	_ =	shalt  }
0x4b: {  	_ =	shalt  }
0x4c: {  	_ =	shalt  }
0x4d: {  	_ =	shalt  }
0x4e: {  	_ =	shalt  }
0x4f: {  	_ =	shalt  }
0x50: {  	_ =	shalt  }
0x51: {  	_ =	shalt  }
0x52: {  	_ =	shalt  }
0x53: {  	_ =	shalt  }
0x54: {  	_ =	shalt  }
0x55: {  	_ =	shalt  }
0x56: {  	_ =	shalt  }
0x57: {  	_ =	shalt  }
0x58: {  	_ =	shalt  }
0x59: {  	_ =	shalt  }
0x5a: {  	_ =	shalt  }
0x5b: {  	_ =	shalt  }
0x5c: {  	_ =	shalt  }
0x5d: {  	_ =	shalt  }
0x5e: {  	_ =	shalt  }
0x5f: {  	_ =	shalt  }
0x60: {  	_ =	shalt  }
0x61: {  	_ =	shalt  }
0x62: {  	_ =	shalt  }
0x63: {  	_ =	shalt  }
0x64: {  	_ =	shalt  }
0x65: {  	_ =	shalt  }
0x66: {  	_ =	shalt  }
0x67: {  	_ =	shalt  }
0x68: {  	_ =	shalt  }
0x69: {  	_ =	shalt  }
0x6a: {  	_ =	shalt  }
0x6b: {  	_ =	shalt  }
0x6c: {  	_ =	shalt  }
0x6d: {  	_ =	shalt  }
0x6e: {  	_ =	shalt  }
0x6f: {  	_ =	shalt  }
0x70: {  	_ =	shalt  }
0x71: {  	_ =	shalt  }
0x72: {  	_ =	shalt  }
0x73: {  	_ =	shalt  }
0x74: {  	_ =	shalt  }
0x75: {  	_ =	shalt  }
0x76: {  	_ =	shalt  }
0x77: {  	_ =	shalt  }
0x78: {  	_ =	shalt  }
0x79: {  	_ =	shalt  }
0x7a: {  	_ =	shalt  }
0x7b: {  	_ =	shalt  }
0x7c: {  	_ =	shalt  }
0x7d: {  	_ =	shalt  }
0x7e: {  	_ =	shalt  }
0x7f: {  	_ =	shalt  }
0x80: {  	_ =	shalt  }
0x81: {  	_ =	shalt  }
0x82: {  	_ =	shalt  }
0x83: {  	_ =	shalt  }
0x84: {  	_ =	shalt  }
0x85: {  	_ =	shalt  }
0x86: {  	_ =	shalt  }
0x87: {  	_ =	shalt  }
.Lfunc_end0:
.L_simem_size_0:
called_computation_lowered:
.L_overlay_start_0:
0x88: {  	s2 =	sld [smem:$0x3FD9]  }
0x89: {  	s3 =	sld [smem:$0x3FFE];
	_ =	sdelay $0x1  }
0x8a: {  	s1 =	srdreg.scid  }
0x8b: {  	s0 =	sand.u32 $0x1, s1  }
0x8c: {  	s17 =	sshll.u32 s0, $0xA;
	s2 =	sadd.s32 s3, s2  }
0x8d: {  	s2 =	sadd.s32 s2, s17  }
0x8e: {  	[smem:$0x3FC6] =	sst s2  }
0x8f: {  	_ = 	snop  }
0x90: {  	s2 =	sld [smem:$0x3FC8]  }
0x91: {  	s18 =	sld [smem:$0x3FD0];
	(tm) =	ssettm $0x1  }
0x92: {  	s4 =	sld [smem:$0x3FFB];
	_ =	sdelay $0x3  }
0x93: {  	_ =	strace s4  }
0x94: {  	s4 =	sld [smem:$0x3FFC];
	_ =	sdelay $0x3  }
0x95: {  	_ =	strace s4  }
0x96: {  	s4 =	sld [smem:$0x3FFD];
	_ =	sdelay $0x3  }
0x97: {  	_ =	strace s4  }
0x98: {  	_ =	strace $0x8FFFFFFF  }
0x99: {  	s19 =	sld [smem:$0x3FDB];
	_ =	sdelay $0x1  }
0x9a: {  	s5 =	simm.s32 $_scs_section_size  }
0x9b: {  	s6 =	simm.s32 $_size__tile_overlayer_lowered;
	s7 =	simm.s32 $_tile_overlayer_lowered  }
0x9c: {  	s22 =	simm.s32 $0x1BFF;
	s21 =	sshll.u32 s7, $0x1;
	s4 =	sadd.s32 s5, s19  }
0x9d: {  	s8 =	simm.s32 $0x0;
	s20 =	sshll.u32 s6, $0x1;
	s6 =	sadd.s32 s21, s4  }
0x9e: {  	[timem:s8], [sflag:s22] =	dma.local [hbm:s6], s20  }
0x9f: {  	_ =	swait.ge [sflag:s22], s20  }
0xa0: {  	s5 =	ssub.s32 $0x0, s20;
	[sflag:s22] =	ssyncset.done $0x0  }
0xa1: {  	[sflag:s22] =	ssyncadd.s32 s5;
	_ =	sdelay $0x1  }
0xa2: {  	s23 =	simm.s32 $0x1B8B  }
0xa3: {  	_ =	swait.ge [sflag:s23], $0x1  }
0xa4: {  	[sflag:s23] =	ssyncset.done $0x0  }
0xa5: {  	s25 =	simm.s32 $0x1B8E;
	s24 =	sld [smem:$0x3FFE];
	[sflag:s23] =	ssyncadd.s32 $0xFFFFFFFF  }
0xa6: {  	s26 =	simm.s32 $execute0_lowered;
	[smem:$0x3FD2] =	sst s25  }
0xa7: {  	s6 =	sshll.u32 s26, $0x1;
	_ =	strace $0x80000046;
	[dreg:$0x1] =	wrdreg $0xFFFFFFFF  }
0xa8: {  	s28 =	simm.s32 $_size_execute0_lowered;
	s4 =	sadd.s32 s4, s6;
	[dreg:$0x0] =	wrdreg $0x0  }
0xa9: {  	s6 =	sshll.u32 s28, $0x1;
	[dreg:$0x2] =	wrdreg s4  }
0xaa: {  	[dreg:$0x3] =	wrdreg s6  }
0xab: {  	[dreg:$0x4] =	wrdreg $0xC0  }
0xac: {  	_ =	task [dreg:s8], $0x5FFFF  }
0xad: {  	[dreg:$0x1] =	wrdreg $0xFFFFFFFF  }
0xae: {  	[dreg:$0x0] =	wrdreg $0x60  }
0xaf: {  	[dreg:$0x2] =	wrdreg s18  }
0xb0: {  	[dreg:$0x3] =	wrdreg s2  }
0xb1: {  	[dreg:$0x4] =	wrdreg s24  }
0xb2: {  	[dreg:$0x5] =	wrdreg $0x9  }
0xb3: {  	_ =	task.clear_ibuf [dreg:s8], $0x6FFFF;
	_ =	strace $0x90000046  }
0xb4: {  	s29 =	simm.s32 $0x9;
	_ =	strace $0x80000048  }
0xb5: {  	_ =	swait.ge [sflag:s29], $0x1  }
0xb6: {  	[sflag:s29] =	ssyncadd.s32 $0xFFFFFFFF  }
0xb7: {  	_ =	strace $0x90000048  }
0xb8: {  	_ =	sfence  }
0xb9: {  	s30 =	sld [smem:$0x0];
	_ =	sdelay $0x2  }
0xba: {  	s31 =	sshll.u32 s1, $0xD;
	s1 =	sshrl.u32 s1, $0x2  }
0xbb: {  	s3 =	sand.u32 $0x4000, s31;
	s1 =	sadd.s32 s1, s30  }
0xbc: {  	s0 =	sor.u32 s3, s0;
	s1 =	sshll.u32 s1, $0x11  }
0xbd: {  	s0 =	sor.u32 s1, s0  }
0xbe: {  	s0 =	sadd.s32 $0x8F2B, s0  }
0xbf: {  	[sflag:s0] =	ssyncadd.remote.s32 $0x1  }
0xc0: {  	_ =	sfence.sel $0xFFFF  }
0xc1: {  	[dreg:$0x0] =	wrdreg $0xFFFFFFFF;
	(pc) =	sbr.abs _section_cstart, $3  }
0xc2: {  	[dreg:$0x1] =	wrdreg $0xFFFFFFFF  }
0xc3: {  	_ =	task.clear_ibuf [dreg:s8], $0x2FFFF;
	_ =	strace $0x9FFFFFFF  }
0xc4: {  	(tm) =	ssettm $0x7FFFFFFF  }
0xc5: {  	_ =	shalt  }
tec
execute0_lowered:
.L_overlay_start_1:
0x0: {  	(tag) =	ssettag $0x1  }
0x1: {  	s2 =	rddreg [dreg:$0x0];
	s1 =	srdreg.scid  }
0x2: {  	s4 =	rddreg [dreg:$0x1];
	s0 =	stileid.u32;
	s10 =	sand.u32 $0x1, s1  }
0x3: {  	s11 =	rddreg [dreg:$0x2];
	s5 =	sshll.u32 s0, $0x6;
	s6 =	sshll.u32 s10, $0x5  }
0x4: {  	s3 =	simm.s32 $0x0;
	s1 =	rddreg [dreg:$0x3];
	s6 =	sor.u32 s6, s5  }
0x5: {  	[smem:$0x7FF] =	sst s3;
	s12 =	sshrl.u32 s6, $0x3  }
0x6: {  	_ =	strace $0x80000047;
	s5 =	sadd.s32 s4, s12;
	s4 =	simm.s32 $0x2  }
0x7: {  	[tilespmem:s3], [sflag:$0x2] =	stream.linear.gather [hbm4b:s5+s3], $0x20, $0x38;
	[tilespmem:$0x180] =	vst v63  }
0x8: {  	_ =	swait.ge [sflag:s4], $0x20  }
0x9: {  	[sflag:s4] =	ssyncset.done $0x0  }
0xa: {  	[sflag:s4] =	ssyncadd.s32 $0xFFFFFFE0  }
0xb: {  	v1 =	vld [tilespmem:$0x0]  }
0xc: {  	v0 =	vmov s6;
	s6 =	sor.u32 $0x10, s6;
	v2 =	vld [tilespmem:$0x10]  }
0xd: {  	v0 =	vmul.u32 $0x186A0, v0;
	v3 =	vmov s6  }
0xe: {  	v4 =	vlaneseq.u32;
	v3 =	vmul.u32 $0x186A0, v3  }
0xf: {  	v4 =	vmul.u32 $0x186A0, v4;
	v0 =	vbroadcast v0, $0x0  }
0x10: {  	v3 =	vbroadcast v3, $0x0;
	vm0 =	vgt.s32 v1, $0x0  }
0x11: {  	v0 =	vadd.s32 v4, v0;
	vm13 =	vgt.s32 v2, $0x0;
	v5 =	vnsel vm0, $0x0, v1  }
0x12: {  	v1 =	vadd.s32 v4, v3;
	v2 =	vnsel vm13, $0x0, v2;
	v3 =	vadd.s32 v5, v0  }
0x13: {  	s8 =	simm.s32 $0x80;
	v2 =	vadd.s32 v2, v1;
	[tilespmem:$0x80] =	vst v3  }
0x14: {  	s7 =	simm.s32 $0x100;
	s9 =	simm.s32 $0x1;
	s6 =	simm.s32 $0x20;
	[tilespmem:$0x90] =	vst v2  }
0x15: {  	[tilespmem:s7], [sflag:$0x1] =	stream.indirect.gather [hbm4b:s2+s6], $0x1, s8, s6, $0xb8;
	[tilespmem:$0x180] =	vst v63  }
0x16: {  	_ =	swait.ge [sflag:s9], $0x20  }
0x17: {  	[sflag:s9] =	ssyncset.done $0x0  }
0x18: {  	[sflag:s9] =	ssyncadd.s32 $0xFFFFFFE0  }
0x19: {  	v3 =	vld [tilespmem:$0x0]  }
0x1a: {  	v4 =	vld [tilespmem:$0x10]  }
0x1b: {  	s10 =	ssub.s32 $0x2, s10;
	v5 =	vld [tilespmem:$0x100]  }
0x1c: {  	s13 =	sshrl.u32 s10, $0x1;
	v6 =	vld [tilespmem:$0x110]  }
0x1d: {  	s10 =	ssub.s32 s10, s13  }
0x1e: {  	s13 =	smax.u32 s10, $0x1;
	v2 =	vimm.f32 $0.0e+00;
	vm14 =	vgt.s32 v3, $0xFFFFFFFF  }
0x1f: {  	p0 =	sne.s32 s13, $0x1;
	vm15 =	vgt.s32 v4, $0xFFFFFFFF;
	v3 =	vsel vm14, $0x3ECCCCCD, v2  }
.Ltmp0:
0x20: {  	v4 =	vsel vm15, $0x3ECCCCCD, v2;
	v3 =	vsub.f32 v5, v3;
	(pc) =	sbr.rel @!p0 .LBB2_2-.Ltmp0, $4  }
0x21: {  	v4 =	vsub.f32 v6, v4  }
0x22: {  	v5 =	vmul.f32 $6.400000000e+01, v3  }
0x23: {  	s31 =	sadd.s32 s12, s11;
	v3 =	vmul.f32 $6.400000000e+01, v4  }
0x24: {  	s10 =	sadd.s32 $0xC38600, s31;
	s11 =	sadd.s32 $0xFFFFFFFF, s13;
	[tilespmem:$0x100] =	vst v5  }
.LBB2_1:
0x25: {  	p0 =	sne.s32 s11, $0x1;
	s11 =	sadd.s32 $0xFFFFFFFF, s11;
	[tilespmem:$0x110] =	vst v3  }
0x26: {  	[hbm4b:s10+s3] =	stream.linear.scatter [tilespmem:s7], [sflag:$0x2], $0x20, $0x38;
	[tilespmem:$0x180] =	vst v63  }
0x27: {  	_ =	swait.ge [sflag:s4], $0x20  }
0x28: {  	[sflag:s4] =	ssyncset.done $0x0  }
0x29: {  	[sflag:s4] =	ssyncadd.s32 $0xFFFFFFE0  }
0x2a: {  	[tilespmem:s3], [sflag:$0x2] =	stream.linear.gather [hbm4b:s5+s3], $0x20, $0x38;
	[tilespmem:$0x180] =	vst v63  }
0x2b: {  	_ =	swait.ge [sflag:s4], $0x20  }
0x2c: {  	[sflag:s4] =	ssyncset.done $0x0  }
0x2d: {  	[sflag:s4] =	ssyncadd.s32 $0xFFFFFFE0  }
0x2e: {  	v3 =	vld [tilespmem:$0x0]  }
0x2f: {  	v4 =	vld [tilespmem:$0x10];
	_ =	sdelay $0x3  }
0x30: {  	vm0 =	vgt.s32 v3, $0x0  }
0x31: {  	v3 =	vnsel vm0, $0x0, v3;
	vm0 =	vgt.s32 v4, $0x0  }
0x32: {  	v3 =	vadd.s32 v3, v0;
	v4 =	vnsel vm0, $0x0, v4  }
0x33: {  	[tilespmem:$0x80] =	vst v3;
	v3 =	vadd.s32 v4, v1  }
0x34: {  	[tilespmem:$0x90] =	vst v3  }
0x35: {  	[tilespmem:s7], [sflag:$0x1] =	stream.indirect.gather [hbm4b:s2+s6], $0x1, s8, s6, $0xb8;
	[tilespmem:$0x180] =	vst v63  }
0x36: {  	_ =	swait.ge [sflag:s9], $0x20  }
0x37: {  	[sflag:s9] =	ssyncset.done $0x0  }
0x38: {  	[sflag:s9] =	ssyncadd.s32 $0xFFFFFFE0  }
0x39: {  	v3 =	vld [tilespmem:$0x0]  }
0x3a: {  	v4 =	vld [tilespmem:$0x10]  }
0x3b: {  	v5 =	vld [tilespmem:$0x100]  }
0x3c: {  	v6 =	vld [tilespmem:$0x110];
	_ =	sdelay $0x1  }
0x3d: {  	vm0 =	vgt.s32 v3, $0xFFFFFFFF  }
0x3e: {  	v3 =	vsel vm0, $0x3ECCCCCD, v2;
	vm0 =	vgt.s32 v4, $0xFFFFFFFF  }
.Ltmp1:
0x3f: {  	v3 =	vsub.f32 v5, v3;
	v4 =	vsel vm0, $0x3ECCCCCD, v2;
	(pc) =	sbr.rel @p0 .LBB2_1-.Ltmp1, $4  }
0x40: {  	v4 =	vsub.f32 v6, v4  }
0x41: {  	v5 =	vmul.f32 $6.400000000e+01, v3  }
0x42: {  	v3 =	vmul.f32 $6.400000000e+01, v4  }
0x43: {  	[tilespmem:$0x100] =	vst v5  }
.LBB2_2:
0x44: {  	[tilespmem:$0x110] =	vst v3  }
0x45: {  	[hbm4b:s10+s3] =	stream.linear.scatter [tilespmem:s7], [sflag:$0x2], $0x20, $0x38;
	[tilespmem:$0x180] =	vst v63  }
0x46: {  	_ =	swait.ge [sflag:s4], $0x20  }
0x47: {  	[sflag:s4] =	ssyncset.done $0x0  }
0x48: {  	[sflag:s4] =	ssyncadd.s32 $0xFFFFFFE0  }
0x49: {  	_ =	sfence.sel $0x180000  }
0x4a: {  	[bflag:$0x0] =	sbarrier.arrive $0xFFFF  }
0x4b: {  	p0 =	sne.s32 s0, $0x0;
	_ =	strace $0x90000047  }
0x4c: {  	s0 =	sadd.s32 @!p0 $0x100000, s1;
	[bflag:$0x2] =	sbarrier.arrive $0xFFFF  }
0x4d: {  	[sflag:s0] =	ssyncadd.tile.s32 @!p0 $0x1;
	_ =	shalt  }
.Lfunc_end2:
_tile_overlayer_lowered:
.L_overlay_start_2:
0x4e: {  	(tag) =	ssettag $0x2  }
0x4f: {  	s0 =	rddreg [dreg:$0x0];
	s2 =	stileid.u32  }
0x50: {  	s1 =	rddreg [dreg:$0x1];
	p0 =	sne.s32 s2, $0x0  }
0x51: {  	s3 =	rddreg [dreg:$0x2];
	[bflag:$0x3] =	sbarrier.arrive $0xFFFF;
	s2 =	simm.s32 @!p0 $0x1C02  }
0x52: {  	[timem:s3], [sflag:s2] =	dma.local @!p0 [hbm:s0], s1  }
0x53: {  	s0 =	simm.s32 @!p0 $0x2  }
0x54: {  	_ =	swait.ge @!p0 [sflag:s0], s1  }
0x55: {  	s1 =	ssub.s32 @!p0 $0x0, s1;
	[sflag:s0] =	ssyncset.done @!p0 $0x0  }
0x56: {  	[sflag:s0] =	ssyncadd.s32 @!p0 s1  }
0x57: {  	[bflag:$0x3] =	sbarrier.arrive $0xFFFF  }
0x58: {  	_ =	shalt  }

</sc_bundles>
